<compile_context>
chip_gen: v7x
topology: tpu7x:2x2x1
jax: 0.10.2.dev20260603
libtpu: 0.0.44.dev20260713+nightly
codegen_flags: <defaults>
</compile_context>

<pallas_src>
import functools

import jax
import jax.numpy as jnp
from jax.experimental import pallas as pl
from jax.experimental.pallas import tpu as pltpu
from jax.experimental.pallas import tpu_sc as plsc

_ALPHA = 0.25
_IGNORE_INDEX = -100

_ROWS = 1024
_COLS = 100000
_RBLK = 256
_CBLK = 2048
_NCBLK = (_COLS + _CBLK - 1) // _CBLK

_LANES = 128
_TABLE_ROWS = _ROWS * _COLS // _LANES

_SC_INFO = plsc.get_sparse_core_info()
_NW = _SC_INFO.num_cores * _SC_INFO.num_subcores
_BPW = _ROWS // _NW

_sc_mesh = plsc.VectorSubcoreMesh(core_axis_name="c", subcore_axis_name="s")


@functools.partial(
    pl.kernel,
    mesh=_sc_mesh,
    out_type=jax.ShapeDtypeStruct((_ROWS, _LANES), jnp.float32),
    scratch_types=[
        pltpu.VMEM((_BPW,), jnp.int32),
        pltpu.VMEM((_BPW, _LANES), jnp.float32),
        pltpu.SemaphoreType.DMA,
    ],
)
def _sc_gather(table_hbm, idx_hbm, out_hbm, idx_v, rows_v, sem):
    wid = jax.lax.axis_index("s") * _SC_INFO.num_cores + jax.lax.axis_index("c")
    base = wid * _BPW
    pltpu.sync_copy(idx_hbm.at[pl.ds(base, _BPW)], idx_v)
    pltpu.async_copy(table_hbm.at[idx_v], rows_v, sem).wait()
    pltpu.sync_copy(rows_v, out_hbm.at[pl.ds(base, _BPW)])


def _focal_kernel(x_ref, tgt_ref, lane_ref, g_ref, out_ref, m_ref, s_ref):
    i = pl.program_id(0)
    j = pl.program_id(1)

    @pl.when(j == 0)
    def _init():
        m_ref[...] = jnp.full((_RBLK, 1), -jnp.inf, jnp.float32)
        s_ref[...] = jnp.zeros((_RBLK, 1), jnp.float32)

    x = x_ref[...]
    is_last = j == _NCBLK - 1

    @pl.when(jnp.logical_not(is_last))
    def _full_block():
        m_old = m_ref[...]
        m_new = jnp.maximum(m_old, jnp.max(x, axis=1, keepdims=True))
        s_ref[...] = s_ref[...] * jnp.exp(m_old - m_new) + jnp.sum(
            jnp.exp(x - m_new), axis=1, keepdims=True
        )
        m_ref[...] = m_new

    @pl.when(is_last)
    def _last_block():
        col = j * _CBLK + jax.lax.broadcasted_iota(
            jnp.int32, (_RBLK, _CBLK), 1
        )
        xm = jnp.where(col < _COLS, x, -jnp.inf)
        m_old = m_ref[...]
        m_new = jnp.maximum(m_old, jnp.max(xm, axis=1, keepdims=True))
        s = s_ref[...] * jnp.exp(m_old - m_new) + jnp.sum(
            jnp.exp(xm - m_new), axis=1, keepdims=True
        )
        lane_iota = jax.lax.broadcasted_iota(jnp.int32, (_RBLK, _LANES), 1)
        t = jnp.sum(
            jnp.where(lane_iota == lane_ref[...], g_ref[...], 0.0),
            axis=1,
            keepdims=True,
        )
        nll = m_new + jnp.log(s) - t
        tgt = tgt_ref[...]
        loss = jnp.where(tgt == _IGNORE_INDEX, 0.0, nll)
        pt = jnp.exp(-loss)
        fl = _ALPHA * (1.0 - pt) * (1.0 - pt) * loss
        partial = jnp.sum(fl) * (1.0 / _ROWS)

        @pl.when(i == 0)
        def _zero():
            out_ref[0, 0] = 0.0

        out_ref[0, 0] += partial


def kernel(input, target):
    tgt = target.astype(jnp.int32)
    tgt_safe = jnp.clip(tgt, 0, _COLS - 1)
    flat_idx = jnp.arange(_ROWS, dtype=jnp.int32) * _COLS + tgt_safe
    row_idx = flat_idx // _LANES
    lane = flat_idx % _LANES

    table = input.reshape(_TABLE_ROWS, _LANES)
    gathered = _sc_gather(table, row_idx)

    out = pl.pallas_call(
        _focal_kernel,
        grid=(_ROWS // _RBLK, _NCBLK),
        in_specs=[
            pl.BlockSpec((_RBLK, _CBLK), lambda i, j: (i, j)),
            pl.BlockSpec((_RBLK, 1), lambda i, j: (i, 0)),
            pl.BlockSpec((_RBLK, 1), lambda i, j: (i, 0)),
            pl.BlockSpec((_RBLK, _LANES), lambda i, j: (i, 0)),
        ],
        out_specs=pl.BlockSpec(
            (1, 1), lambda i, j: (0, 0), memory_space=pltpu.SMEM
        ),
        out_shape=jax.ShapeDtypeStruct((1, 1), jnp.float32),
        scratch_shapes=[
            pltpu.VMEM((_RBLK, 1), jnp.float32),
            pltpu.VMEM((_RBLK, 1), jnp.float32),
        ],
    )(input, tgt.reshape(_ROWS, 1), lane.reshape(_ROWS, 1), gathered)
    return out[0, 0]

# --- scband reference (transcript-rebuilt; emitter-appended) ---
"""Pipeline reference for scband-top-kfocal-loss-84782654423509 (READ-ONLY COPY).

The authoritative reference and input builder live on the scoring server;
editing this copy changes nothing except your own understanding.
"""

import jax, jax.numpy as jnp
import numpy as np

K = 1.0
ALPHA = 0.25
GAMMA = 2.0
IGNORE_INDEX = -100


def setup_inputs(seed: int = 0) -> dict:
    key = jax.random.key(seed)
    k1, k2 = jax.random.split(key)
    inp = jax.random.normal(k1, (1024, 100000), dtype=jnp.float32)
    target = jax.random.randint(k2, (1024,), 0, 100000, dtype=jnp.int64 if jax.config.jax_enable_x64 else jnp.int32)
    return {"input": inp, "target": target}


def reference(input, target):
    # F.cross_entropy(input, target, ignore_index=-100, reduction='none')
    logp = jax.nn.log_softmax(input, axis=-1)
    tgt_safe = jnp.clip(target, 0, input.shape[-1] - 1)
    nll = -jnp.take_along_axis(logp, tgt_safe[:, None], axis=-1)[:, 0]
    loss = jnp.where(target == IGNORE_INDEX, 0.0, nll)
    pt = jnp.exp(-loss)
    focal_loss = ALPHA * (1.0 - pt) ** GAMMA * loss
    if K == 1.0:
        return jnp.mean(focal_loss)
    else:
        fl = focal_loss.reshape(focal_loss.shape[0], -1)
        kk = int(K * fl.shape[1])
        valid_loss, _ = jax.lax.top_k(fl, kk)
        return jnp.mean(valid_loss)

if __name__ == "__main__":
    import jax
    _d = setup_inputs()
    print(jax.jit(kernel)(*tuple(_d.values())))

</pallas_src>

<mosaic_0001>
#map = affine_map<(d0, d1) -> (0, 0)>
#map1 = affine_map<(d0, d1) -> (0)>
module attributes {stable_mosaic.version = 14 : i64} {
  func.func @_sc_gather(%arg0: i32, %arg1: i32, %arg2: memref<800000x128xf32, #tpu.memory_space<hbm>>, %arg3: memref<1024xi32, #tpu.memory_space<hbm>>, %arg4: memref<1024x128xf32, #tpu.memory_space<hbm>>, %arg5: memref<32xi32, #tpu.memory_space<vmem>>, %arg6: memref<32x128xf32, #tpu.memory_space<vmem>>, %arg7: memref<!tpu.dma_semaphore, #tpu.memory_space<semaphore_mem>>) attributes {dimension_semantics = [#tpu.dimension_semantics<core_parallel>, #tpu.dimension_semantics<subcore_parallel>], iteration_bounds = array<i64: 2, 16>, scalar_prefetch = 0 : i64, scratch_operands = 3 : i64, tpu.core_type = #tpu.core_type<sc_vector_subcore>, window_params = [{transform_indices = #map}, {transform_indices = #map1}, {transform_indices = #map}]} {
    %mul3A = arith.constant 2 : i32
    %mul3A_0 = arith.muli %arg1, %mul3A : i32
    %add3A = arith.addi %mul3A_0, %arg0 : i32
    %mul3A_1 = arith.constant 32 : i32
    %mul3A_2 = arith.muli %add3A, %mul3A_1 : i32
    "tpu.region"() ({
      %run_scoped3A = tpu.sem_alloc : memref<!tpu.dma_semaphore, #tpu.memory_space<semaphore_mem>>
      %dma_start3A_7 = tpu.memref_slice %arg3[%mul3A_2] : memref<1024xi32, #tpu.memory_space<hbm>> -> memref<32xi32, #tpu.memory_space<hbm>>
      %dma_start3A_8 = tpu.memref_slice %arg3[%mul3A_2] : memref<1024xi32, #tpu.memory_space<hbm>> -> memref<32xi32, #tpu.memory_space<hbm>>
      tpu.enqueue_dma source(%dma_start3A_8 : memref<32xi32, #tpu.memory_space<hbm>>) target(%arg5 : memref<32xi32, #tpu.memory_space<vmem>>) target_semaphore(%run_scoped3A : memref<!tpu.dma_semaphore, #tpu.memory_space<semaphore_mem>>)
      %dma_wait3A_9 = tpu.memref_slice %arg3[%mul3A_2] : memref<1024xi32, #tpu.memory_space<hbm>> -> memref<32xi32, #tpu.memory_space<hbm>>
      %dma_wait3A_10 = tpu.memref_slice %arg3[%mul3A_2] : memref<1024xi32, #tpu.memory_space<hbm>> -> memref<32xi32, #tpu.memory_space<hbm>>
      tpu.wait_dma2 semaphore(%run_scoped3A : memref<!tpu.dma_semaphore, #tpu.memory_space<semaphore_mem>>) src(%dma_wait3A_10 : memref<32xi32, #tpu.memory_space<hbm>>) dst(%arg5 : memref<32xi32, #tpu.memory_space<vmem>>)
      tpu.yield
    }) : () -> ()
    %dma_start3A = arith.constant 0 : i32
    %dma_start3A_3 = arith.constant 0 : i32
    %dma_start3A_4 = tpu.memref_slice %arg2[%dma_start3A, %dma_start3A_3] : memref<800000x128xf32, #tpu.memory_space<hbm>> -> memref<800000x128xf32, #tpu.memory_space<hbm>>
    tpu.enqueue_indirect_dma source(%dma_start3A_4 : memref<800000x128xf32, #tpu.memory_space<hbm>>) target(%arg6 : memref<32x128xf32, #tpu.memory_space<vmem>>) offsets(%arg5 : memref<32xi32, #tpu.memory_space<vmem>>) semaphore(%arg7 : memref<!tpu.dma_semaphore, #tpu.memory_space<semaphore_mem>>)
    %dma_wait3A = arith.constant 0 : i32
    %dma_wait3A_5 = arith.constant 0 : i32
    %dma_wait3A_6 = tpu.memref_slice %arg2[%dma_wait3A, %dma_wait3A_5] : memref<800000x128xf32, #tpu.memory_space<hbm>> -> memref<800000x128xf32, #tpu.memory_space<hbm>>
    tpu.wait_indirect_dma semaphore(%arg7 : memref<!tpu.dma_semaphore, #tpu.memory_space<semaphore_mem>>) src(%dma_wait3A_6 : memref<800000x128xf32, #tpu.memory_space<hbm>>) dst(%arg6 : memref<32x128xf32, #tpu.memory_space<vmem>>)
    "tpu.region"() ({
      %run_scoped3A = tpu.sem_alloc : memref<!tpu.dma_semaphore, #tpu.memory_space<semaphore_mem>>
      %dma_start3A_7 = arith.constant 0 : i32
      %dma_start3A_8 = tpu.memref_slice %arg4[%mul3A_2, %dma_start3A_7] : memref<1024x128xf32, #tpu.memory_space<hbm>> -> memref<32x128xf32, #tpu.memory_space<hbm>>
      %dma_start3A_9 = arith.constant 0 : i32
      %dma_start3A_10 = tpu.memref_slice %arg4[%mul3A_2, %dma_start3A_9] : memref<1024x128xf32, #tpu.memory_space<hbm>> -> memref<32x128xf32, #tpu.memory_space<hbm>>
      tpu.enqueue_dma source(%arg6 : memref<32x128xf32, #tpu.memory_space<vmem>>) target(%dma_start3A_10 : memref<32x128xf32, #tpu.memory_space<hbm>>) target_semaphore(%run_scoped3A : memref<!tpu.dma_semaphore, #tpu.memory_space<semaphore_mem>>)
      %dma_wait3A_11 = arith.constant 0 : i32
      %dma_wait3A_12 = tpu.memref_slice %arg4[%mul3A_2, %dma_wait3A_11] : memref<1024x128xf32, #tpu.memory_space<hbm>> -> memref<32x128xf32, #tpu.memory_space<hbm>>
      %dma_wait3A_13 = arith.constant 0 : i32
      %dma_wait3A_14 = tpu.memref_slice %arg4[%mul3A_2, %dma_wait3A_13] : memref<1024x128xf32, #tpu.memory_space<hbm>> -> memref<32x128xf32, #tpu.memory_space<hbm>>
      tpu.wait_dma2 semaphore(%run_scoped3A : memref<!tpu.dma_semaphore, #tpu.memory_space<semaphore_mem>>) src(%arg6 : memref<32x128xf32, #tpu.memory_space<vmem>>) dst(%dma_wait3A_14 : memref<32x128xf32, #tpu.memory_space<hbm>>)
      tpu.yield
    }) : () -> ()
    return
  }
}

module attributes {stable_mosaic.version = 14 : i64} {
  func.func @_focal_kernel(%arg0: i32, %arg1: i32, %arg2: memref<256x2048xf32, #tpu.memory_space<vmem>>, %arg3: memref<256x1xi32, #tpu.memory_space<vmem>>, %arg4: memref<256x1xi32, #tpu.memory_space<vmem>>, %arg5: memref<256x128xf32, #tpu.memory_space<vmem>>, %arg6: memref<1x1xf32, #tpu.memory_space<smem>>, %arg7: memref<256x1xf32, #tpu.memory_space<vmem>>, %arg8: memref<256x1xf32, #tpu.memory_space<vmem>>) attributes {dimension_semantics = [#tpu.dimension_semantics<arbitrary>, #tpu.dimension_semantics<arbitrary>], iteration_bounds = array<i64: 4, 49>, scalar_prefetch = 0 : i64, scratch_operands = 2 : i64, tpu.core_type = #tpu.core_type<tc>, window_params = [{transform_indices = @transform_0, window_bounds = array<i64: 256, 2048>}, {transform_indices = @transform_1, window_bounds = array<i64: 256, 1>}, {transform_indices = @transform_2, window_bounds = array<i64: 256, 1>}, {transform_indices = @transform_3, window_bounds = array<i64: 256, 128>}, {transform_indices = @transform_4, window_bounds = array<i64: 1, 1>}]} {
    %eq3A = arith.constant 0 : i32
    %eq3A_0 = arith.cmpi eq, %arg1, %eq3A : i32
    %convert_element_type3A = arith.extui %eq3A_0 : i1 to i32
    %cond3A = arith.constant 0 : i32
    %cond3A_1 = arith.cmpi ne, %convert_element_type3A, %cond3A : i32
    scf.if %cond3A_1 {
      %broadcast_in_dim3A = arith.constant 0xFF800000 : f32
      %broadcast_in_dim3A_13 = vector.broadcast %broadcast_in_dim3A : f32 to vector<256x1xf32>
      %swap3A = arith.constant 0 : index
      %swap3A_14 = arith.constant 0 : index
      %swap3A_15 = vector.load %arg7[%swap3A, %swap3A_14] : memref<256x1xf32, #tpu.memory_space<vmem>>, vector<256x1xf32>
      tpu.vector_store %arg7[%swap3A, %swap3A_14], %broadcast_in_dim3A_13 {strides = array<i32>} : memref<256x1xf32, #tpu.memory_space<vmem>>, vector<256x1xf32>,
      %broadcast_in_dim3A_16 = arith.constant 0.000000e+00 : f32
      %broadcast_in_dim3A_17 = vector.broadcast %broadcast_in_dim3A_16 : f32 to vector<256x1xf32>
      %swap3A_18 = arith.constant 0 : index
      %swap3A_19 = arith.constant 0 : index
      %swap3A_20 = vector.load %arg8[%swap3A_18, %swap3A_19] : memref<256x1xf32, #tpu.memory_space<vmem>>, vector<256x1xf32>
      tpu.vector_store %arg8[%swap3A_18, %swap3A_19], %broadcast_in_dim3A_17 {strides = array<i32>} : memref<256x1xf32, #tpu.memory_space<vmem>>, vector<256x1xf32>,
    } else {
    }
    %get3A = arith.constant 0 : index
    %get3A_2 = arith.constant 0 : index
    %get3A_3 = vector.load %arg2[%get3A, %get3A_2] : memref<256x2048xf32, #tpu.memory_space<vmem>>, vector<256x2048xf32>
    %eq3A_4 = arith.constant 48 : i32
    %eq3A_5 = arith.cmpi eq, %arg1, %eq3A_4 : i32
    %not3A = arith.constant true
    %not3A_6 = arith.xori %eq3A_5, %not3A : i1
    %convert_element_type3A_7 = arith.extui %not3A_6 : i1 to i32
    %cond3A_8 = arith.constant 0 : i32
    %cond3A_9 = arith.cmpi ne, %convert_element_type3A_7, %cond3A_8 : i32
    scf.if %cond3A_9 {
      %get3A_13 = arith.constant 0 : index
      %get3A_14 = arith.constant 0 : index
      %get3A_15 = vector.load %arg7[%get3A_13, %get3A_14] : memref<256x1xf32, #tpu.memory_space<vmem>>, vector<256x1xf32>
      %reduce_max3A = arith.constant dense<0xFF800000> : vector<256xf32>
      %reduce_max3A_16 = vector.multi_reduction <maximumf>, %get3A_3, %reduce_max3A [1] : vector<256x2048xf32> to vector<256xf32>
      %broadcast_in_dim3A = vector.shape_cast %reduce_max3A_16 : vector<256xf32> to vector<256x1xf32>
      %max3A = arith.maximumf %get3A_15, %broadcast_in_dim3A : vector<256x1xf32>
      %get3A_17 = arith.constant 0 : index
      %get3A_18 = arith.constant 0 : index
      %get3A_19 = vector.load %arg8[%get3A_17, %get3A_18] : memref<256x1xf32, #tpu.memory_space<vmem>>, vector<256x1xf32>
      %sub3A = arith.subf %get3A_15, %max3A : vector<256x1xf32>
      %exp3A = math.exp %sub3A : vector<256x1xf32>
      %mul3A = arith.mulf %get3A_19, %exp3A : vector<256x1xf32>
      %sub3A_20 = vector.broadcast %max3A : vector<256x1xf32> to vector<256x2048xf32>
      %sub3A_21 = arith.subf %get3A_3, %sub3A_20 : vector<256x2048xf32>
      %exp3A_22 = math.exp %sub3A_21 : vector<256x2048xf32>
      %reduce_sum3A = arith.constant dense<0.000000e+00> : vector<256xf32>
      %reduce_sum3A_23 = vector.multi_reduction <add>, %exp3A_22, %reduce_sum3A [1] : vector<256x2048xf32> to vector<256xf32>
      %broadcast_in_dim3A_24 = vector.shape_cast %reduce_sum3A_23 : vector<256xf32> to vector<256x1xf32>
      %add3A = arith.addf %mul3A, %broadcast_in_dim3A_24 : vector<256x1xf32>
      %swap3A = arith.constant 0 : index
      %swap3A_25 = arith.constant 0 : index
      %swap3A_26 = vector.load %arg8[%swap3A, %swap3A_25] : memref<256x1xf32, #tpu.memory_space<vmem>>, vector<256x1xf32>
      tpu.vector_store %arg8[%swap3A, %swap3A_25], %add3A {strides = array<i32>} : memref<256x1xf32, #tpu.memory_space<vmem>>, vector<256x1xf32>,
      %swap3A_27 = arith.constant 0 : index
      %swap3A_28 = arith.constant 0 : index
      %swap3A_29 = vector.load %arg7[%swap3A_27, %swap3A_28] : memref<256x1xf32, #tpu.memory_space<vmem>>, vector<256x1xf32>
      tpu.vector_store %arg7[%swap3A_27, %swap3A_28], %max3A {strides = array<i32>} : memref<256x1xf32, #tpu.memory_space<vmem>>, vector<256x1xf32>,
    } else {
    }
    %convert_element_type3A_10 = arith.extui %eq3A_5 : i1 to i32
    %cond3A_11 = arith.constant 0 : i32
    %cond3A_12 = arith.cmpi ne, %convert_element_type3A_10, %cond3A_11 : i32
    scf.if %cond3A_12 {
      %mul3A = arith.constant 2048 : i32
      %mul3A_13 = arith.muli %arg1, %mul3A : i32
      %iota3A = tpu.iota {dimensions = array<i32: 1>} : vector<256x2048xi32>
      %add3A = vector.broadcast %mul3A_13 : i32 to vector<256x2048xi32>
      %add3A_14 = arith.addi %add3A, %iota3A : vector<256x2048xi32>
      %lt3A = arith.constant 100000 : i32
      %lt3A_15 = vector.broadcast %lt3A : i32 to vector<256x2048xi32>
      %lt3A_16 = arith.cmpi slt, %add3A_14, %lt3A_15 : vector<256x2048xi32>
      %jit3A = arith.constant 0xFF800000 : f32
      %broadcast_in_dim3A = vector.broadcast %jit3A : f32 to vector<256x2048xf32>
      %select_n3A = arith.select %lt3A_16, %get3A_3, %broadcast_in_dim3A : vector<256x2048xi1>, vector<256x2048xf32>
      %get3A_17 = arith.constant 0 : index
      %get3A_18 = arith.constant 0 : index
      %get3A_19 = vector.load %arg7[%get3A_17, %get3A_18] : memref<256x1xf32, #tpu.memory_space<vmem>>, vector<256x1xf32>
      %reduce_max3A = arith.constant dense<0xFF800000> : vector<256xf32>
      %reduce_max3A_20 = vector.multi_reduction <maximumf>, %select_n3A, %reduce_max3A [1] : vector<256x2048xf32> to vector<256xf32>
      %broadcast_in_dim3A_21 = vector.shape_cast %reduce_max3A_20 : vector<256xf32> to vector<256x1xf32>
      %max3A = arith.maximumf %get3A_19, %broadcast_in_dim3A_21 : vector<256x1xf32>
      %get3A_22 = arith.constant 0 : index
      %get3A_23 = arith.constant 0 : index
      %get3A_24 = vector.load %arg8[%get3A_22, %get3A_23] : memref<256x1xf32, #tpu.memory_space<vmem>>, vector<256x1xf32>
      %sub3A = arith.subf %get3A_19, %max3A : vector<256x1xf32>
      %exp3A = math.exp %sub3A : vector<256x1xf32>
      %mul3A_25 = arith.mulf %get3A_24, %exp3A : vector<256x1xf32>
      %sub3A_26 = vector.broadcast %max3A : vector<256x1xf32> to vector<256x2048xf32>
      %sub3A_27 = arith.subf %select_n3A, %sub3A_26 : vector<256x2048xf32>
      %exp3A_28 = math.exp %sub3A_27 : vector<256x2048xf32>
      %reduce_sum3A = arith.constant dense<0.000000e+00> : vector<256xf32>
      %reduce_sum3A_29 = vector.multi_reduction <add>, %exp3A_28, %reduce_sum3A [1] : vector<256x2048xf32> to vector<256xf32>
      %broadcast_in_dim3A_30 = vector.shape_cast %reduce_sum3A_29 : vector<256xf32> to vector<256x1xf32>
      %add3A_31 = arith.addf %mul3A_25, %broadcast_in_dim3A_30 : vector<256x1xf32>
      %iota3A_32 = tpu.iota {dimensions = array<i32: 1>} : vector<256x128xi32>
      %get3A_33 = arith.constant 0 : index
      %get3A_34 = arith.constant 0 : index
      %get3A_35 = vector.load %arg4[%get3A_33, %get3A_34] : memref<256x1xi32, #tpu.memory_space<vmem>>, vector<256x1xi32>
      %eq3A_36 = vector.broadcast %get3A_35 : vector<256x1xi32> to vector<256x128xi32>
      %eq3A_37 = arith.cmpi eq, %iota3A_32, %eq3A_36 : vector<256x128xi32>
      %get3A_38 = arith.constant 0 : index
      %get3A_39 = arith.constant 0 : index
      %get3A_40 = vector.load %arg5[%get3A_38, %get3A_39] : memref<256x128xf32, #tpu.memory_space<vmem>>, vector<256x128xf32>
      %jit3A_41 = arith.constant 0.000000e+00 : f32
      %broadcast_in_dim3A_42 = vector.broadcast %jit3A_41 : f32 to vector<256x128xf32>
      %select_n3A_43 = arith.select %eq3A_37, %get3A_40, %broadcast_in_dim3A_42 : vector<256x128xi1>, vector<256x128xf32>
      %reduce_sum3A_44 = arith.constant dense<0.000000e+00> : vector<256xf32>
      %reduce_sum3A_45 = vector.multi_reduction <add>, %select_n3A_43, %reduce_sum3A_44 [1] : vector<256x128xf32> to vector<256xf32>
      %broadcast_in_dim3A_46 = vector.shape_cast %reduce_sum3A_45 : vector<256xf32> to vector<256x1xf32>
      %log3A = math.log %add3A_31 : vector<256x1xf32>
      %add3A_47 = arith.addf %max3A, %log3A : vector<256x1xf32>
      %sub3A_48 = arith.subf %add3A_47, %broadcast_in_dim3A_46 : vector<256x1xf32>
      %get3A_49 = arith.constant 0 : index
      %get3A_50 = arith.constant 0 : index
      %get3A_51 = vector.load %arg3[%get3A_49, %get3A_50] : memref<256x1xi32, #tpu.memory_space<vmem>>, vector<256x1xi32>
      %eq3A_52 = arith.constant -100 : i32
      %eq3A_53 = vector.broadcast %eq3A_52 : i32 to vector<256x1xi32>
      %eq3A_54 = arith.cmpi eq, %get3A_51, %eq3A_53 : vector<256x1xi32>
      %jit3A_55 = arith.constant 0.000000e+00 : f32
      %broadcast_in_dim3A_56 = vector.broadcast %jit3A_55 : f32 to vector<256x1xf32>
      %select_n3A_57 = arith.select %eq3A_54, %broadcast_in_dim3A_56, %sub3A_48 : vector<256x1xi1>, vector<256x1xf32>
      %neg3A = arith.constant 0.000000e+00 : f32
      %neg3A_58 = vector.broadcast %neg3A : f32 to vector<256x1xf32>
      %neg3A_59 = arith.subf %neg3A_58, %select_n3A_57 : vector<256x1xf32>
      %exp3A_60 = math.exp %neg3A_59 : vector<256x1xf32>
      %sub3A_61 = arith.constant 1.000000e+00 : f32
      %sub3A_62 = vector.broadcast %sub3A_61 : f32 to vector<256x1xf32>
      %sub3A_63 = arith.subf %sub3A_62, %exp3A_60 : vector<256x1xf32>
      %mul3A_64 = arith.constant 2.500000e-01 : f32
      %mul3A_65 = vector.broadcast %mul3A_64 : f32 to vector<256x1xf32>
      %mul3A_66 = arith.mulf %mul3A_65, %sub3A_63 : vector<256x1xf32>
      %sub3A_67 = arith.constant 1.000000e+00 : f32
      %sub3A_68 = vector.broadcast %sub3A_67 : f32 to vector<256x1xf32>
      %sub3A_69 = arith.subf %sub3A_68, %exp3A_60 : vector<256x1xf32>
      %mul3A_70 = arith.mulf %mul3A_66, %sub3A_69 : vector<256x1xf32>
      %mul3A_71 = arith.mulf %mul3A_70, %select_n3A_57 : vector<256x1xf32>
      %reduce_sum3A_72 = vector.shape_cast %mul3A_71 : vector<256x1xf32> to vector<1x256x1xf32>
      %reduce_sum3A_73 = arith.constant dense<0.000000e+00> : vector<1xf32>
      %reduce_sum3A_74 = vector.multi_reduction <add>, %reduce_sum3A_72, %reduce_sum3A_73 [1, 2] : vector<1x256x1xf32> to vector<1xf32>
      %reduce_sum3A_75 = vector.shape_cast %reduce_sum3A_74 : vector<1xf32> to vector<1x1x1xf32>
      %reduce_sum3A_76 = vector.extract %reduce_sum3A_75[0, 0, 0] : f32 from vector<1x1x1xf32>
      %mul3A_77 = arith.constant 9.765625E-4 : f32
      %mul3A_78 = arith.mulf %reduce_sum3A_76, %mul3A_77 : f32
      %eq3A_79 = arith.constant 0 : i32
      %eq3A_80 = arith.cmpi eq, %arg0, %eq3A_79 : i32
      %convert_element_type3A_81 = arith.extui %eq3A_80 : i1 to i32
      %cond3A_82 = arith.constant 0 : i32
      %cond3A_83 = arith.cmpi ne, %convert_element_type3A_81, %cond3A_82 : i32
      scf.if %cond3A_83 {
        %swap3A_90 = arith.constant 0.000000e+00 : f32
        %swap3A_91 = arith.constant 0 : index
        %swap3A_92 = arith.constant 0 : index
        %swap3A_93 = memref.load %arg6[%swap3A_91, %swap3A_92] : memref<1x1xf32, #tpu.memory_space<smem>>
        memref.store %swap3A_90, %arg6[%swap3A_91, %swap3A_92] : memref<1x1xf32, #tpu.memory_space<smem>>
      } else {
      }
      %get3A_84 = arith.constant 0 : index
      %get3A_85 = arith.constant 0 : index
      %get3A_86 = memref.load %arg6[%get3A_84, %get3A_85] : memref<1x1xf32, #tpu.memory_space<smem>>
      %add3A_87 = arith.addf %get3A_86, %mul3A_78 : f32
      %swap3A = arith.constant 0 : index
      %swap3A_88 = arith.constant 0 : index
      %swap3A_89 = memref.load %arg6[%swap3A, %swap3A_88] : memref<1x1xf32, #tpu.memory_space<smem>>
      memref.store %add3A_87, %arg6[%swap3A, %swap3A_88] : memref<1x1xf32, #tpu.memory_space<smem>>
    } else {
    }
    return
  }
  func.func @transform_0(%arg0: i32, %arg1: i32) -> (i32, i32) {
    %c0_i32 = arith.constant 0 : i32
    return %arg0, %arg1 : i32, i32
  }
  func.func @transform_1(%arg0: i32, %arg1: i32) -> (i32, i32) {
    %c0_i32 = arith.constant 0 : i32
    %c0_i32_0 = arith.constant 0 : i32
    return %arg0, %c0_i32 : i32, i32
  }
  func.func @transform_2(%arg0: i32, %arg1: i32) -> (i32, i32) {
    %c0_i32 = arith.constant 0 : i32
    %c0_i32_0 = arith.constant 0 : i32
    return %arg0, %c0_i32 : i32, i32
  }
  func.func @transform_3(%arg0: i32, %arg1: i32) -> (i32, i32) {
    %c0_i32 = arith.constant 0 : i32
    %c0_i32_0 = arith.constant 0 : i32
    return %arg0, %c0_i32 : i32, i32
  }
  func.func @transform_4(%arg0: i32, %arg1: i32) -> (i32, i32) {
    %c0_i32 = arith.constant 0 : i32
    %c0_i32_0 = arith.constant 0 : i32
    %c0_i32_1 = arith.constant 0 : i32
    return %c0_i32, %c0_i32_0 : i32, i32
  }
}

</mosaic_0001>

<sc_bundles>
// kernel: kernel.4.cloned.1.call-start
scs
__scs_entry_jumppad:
0x0: {  	(pc) =	sbr.rel $0x88, $3  }
0x1: {  	(tag) =	ssettag $0x0;
	lr =	simm.s32 $0x1  }
0x2: {  	[smem:$0x3F9F] =	sst lr;
	_ =	strace $0xD0000000  }
0x3: {  	_ = 	snop  }
0x4: {  	_ = 	snop  }
0x5: {  	_ = 	snop  }
0x6: {  	_ = 	snop  }
0x7: {  	_ = 	snop  }
__scs_overlays_trampoline_lowered:
0x8: {  	[smem:$0x3FAE] =	sst s0  }
0x9: {  	[smem:$0x3FAF] =	sst s1  }
0xa: {  	[smem:$0x3FB0] =	sst s2  }
0xb: {  	[smem:$0x3FB1] =	sst s3  }
0xc: {  	[smem:$0x3FB2] =	sst s4  }
0xd: {  	[smem:$0x3FB3] =	sst s5  }
0xe: {  	[smem:$0x3FB4] =	sst s6  }
0xf: {  	[smem:$0x3FB5] =	sst s7  }
0x10: {  	[smem:$0x3FB6] =	sst s8  }
0x11: {  	[smem:$0x3FB7] =	sst s9;
	s0 =	simm.s32 @!p0 $0x0  }
0x12: {  	s1 =	sld [smem:$0x3F9D];
	s0 =	simm.s32 @p0 $0x1  }
0x13: {  	[smem:$0x3FB8] =	sst s0;
	s0 =	simm.s32 @!p1 $0x0  }
0x14: {  	s2 =	sld [smem:$0x3F9C];
	s0 =	simm.s32 @p1 $0x1  }
0x15: {  	[smem:$0x3FB9] =	sst s0;
	s0 =	simm.s32 @!p2 $0x0  }
0x16: {  	s3 =	sld [smem:$0x3FDB];
	s0 =	simm.s32 @p2 $0x1  }
0x17: {  	s4 =	simm.s32 $0x1BF5;
	[smem:$0x3FBB] =	sst s0  }
0x18: {  	s0 =	sld [smem:$0x3F9E];
	_ =	swait.ge [sflag:s4], $0x0  }
0x19: {  	s7 =	sld [smem:$0x3F9F]  }
0x1a: {  	s8 =	sadd.s32 $0xFFFFE003, lr  }
0x1b: {  	s9 =	sadd.s32 $0xFFFFFEF7, lr;
	s5 =	simm.s32 $0xFFFFFFFF;
	p2 =	slt.u32 s8, $0xFFFFF086  }
0x1c: {  	p1 =	slt.u32 s9, $0xF7A;
	s5 =	simm.s32 @!p2 $0x0  }
0x1d: {  	s5 =	simm.s32 @p1 $0x1;
	p0 =	seq.s32 s7, s2  }
0x1e: {  	s7 =	smul.u32 @!p0 $0xF7A, s2;
	p2 =	seq.s32 @!p0 s5, $0x0  }
0x1f: {  	s9 =	smul.u32 $0xF7A, s1;
	s8 =	simm.s32 @!p0 $0x1BF5;
	p2 =	por !p2, p0  }
0x20: {  	[sflag:s8] =	ssyncset.s32 @!p0 $0xFFFFF086;
	s6 =	sadd.s32 @!p0 s3, s7;
	s7 =	simm.s32 @!p0 $0x108  }
0x21: {  	s3 =	sadd.s32 s3, s9;
	s6 =	sadd.s32 @!p0 $0x88, s6;
	s7 =	simm.s32 @p2 $0x1082  }
0x22: {  	[simem:s7], [sflag:s8] =	dma.local @!p0 [hbm:s6], $0xF7A  }
0x23: {  	s9 =	sor.u32 $0xD0000000, s2;
	s6 =	simm.s32 $0x108;
	_ =	swait.ge @!p0 [sflag:s8], $0x0  }
0x24: {  	s3 =	sadd.s32 $0x88, s3;
	s6 =	simm.s32 @!p1 $0x1082;
	[sflag:s4] =	ssyncset.s32 $0xFFFFF086  }
0x25: {  	[simem:s6], [sflag:s4] =	dma.local [hbm:s3], $0xF7A  }
0x26: {  	[smem:$0x3F9F] =	sst s1;
	(tag) =	ssettag s2;
	_ =	strace s9  }
0x27: {  	s1 =	sld [smem:$0x3FAF]  }
0x28: {  	s2 =	sld [smem:$0x3FB0]  }
0x29: {  	s4 =	sld [smem:$0x3FB2]  }
0x2a: {  	p0 =	seq.s32 s5, $0x0;
	s5 =	sld [smem:$0x3FB3]  }
0x2b: {  	s6 =	sld [smem:$0x3FB4]  }
0x2c: {  	s7 =	sld [smem:$0x3FB5]  }
0x2d: {  	s3 =	simm.s32 $0x108;
	s8 =	sld [smem:$0x3FB6]  }
0x2e: {  	s3 =	simm.s32 @!p0 $0x1082;
	s9 =	sld [smem:$0x3FB7]  }
0x2f: {  	lr =	sadd.s32 s0, s3;
	s0 =	sld [smem:$0x3FAE]  }
0x30: {  	s3 =	sld [smem:$0x3FB1]  }
0x31: {  	[smem:$0x3FBA] =	sst s10  }
0x32: {  	s10 =	sld [smem:$0x3FB8];
	_ =	sdelay $0x3  }
0x33: {  	p0 =	seq.s32 s10, $0x1;
	s10 =	sld [smem:$0x3FBA];
	_ =	sdelay $0x3  }
0x34: {  	[smem:$0x3FBA] =	sst s10  }
0x35: {  	s10 =	sld [smem:$0x3FB9];
	_ =	sdelay $0x3  }
0x36: {  	p1 =	seq.s32 s10, $0x1;
	s10 =	sld [smem:$0x3FBA];
	_ =	sdelay $0x3  }
0x37: {  	[smem:$0x3FBA] =	sst s10  }
0x38: {  	s10 =	sld [smem:$0x3FBB]  }
0x39: {  	_ = 	snop;
	(pc) =	sbr.ind lr, $3  }
0x3a: {  	_ = 	snop  }
0x3b: {  	_ = 	snop  }
0x3c: {  	p2 =	seq.s32 s10, $0x1;
	s10 =	sld [smem:$0x3FBA]  }
0x3d: {  	_ =	shalt  }
0x3e: {  	_ =	shalt  }
0x3f: {  	_ =	shalt  }
0x40: {  	_ =	shalt  }
0x41: {  	_ =	shalt  }
0x42: {  	_ =	shalt  }
0x43: {  	_ =	shalt  }
0x44: {  	_ =	shalt  }
0x45: {  	_ =	shalt  }
0x46: {  	_ =	shalt  }
0x47: {  	_ =	shalt  }
0x48: {  	_ =	shalt  }
0x49: {  	_ =	shalt  }
0x4a: {  	_ =	shalt  }
0x4b: {  	_ =	shalt  }
0x4c: {  	_ =	shalt  }
0x4d: {  	_ =	shalt  }
0x4e: {  	_ =	shalt  }
0x4f: {  	_ =	shalt  }
0x50: {  	_ =	shalt  }
0x51: {  	_ =	shalt  }
0x52: {  	_ =	shalt  }
0x53: {  	_ =	shalt  }
0x54: {  	_ =	shalt  }
0x55: {  	_ =	shalt  }
0x56: {  	_ =	shalt  }
0x57: {  	_ =	shalt  }
0x58: {  	_ =	shalt  }
0x59: {  	_ =	shalt  }
0x5a: {  	_ =	shalt  }
0x5b: {  	_ =	shalt  }
0x5c: {  	_ =	shalt  }
0x5d: {  	_ =	shalt  }
0x5e: {  	_ =	shalt  }
0x5f: {  	_ =	shalt  }
0x60: {  	_ =	shalt  }
0x61: {  	_ =	shalt  }
0x62: {  	_ =	shalt  }
0x63: {  	_ =	shalt  }
0x64: {  	_ =	shalt  }
0x65: {  	_ =	shalt  }
0x66: {  	_ =	shalt  }
0x67: {  	_ =	shalt  }
0x68: {  	_ =	shalt  }
0x69: {  	_ =	shalt  }
0x6a: {  	_ =	shalt  }
0x6b: {  	_ =	shalt  }
0x6c: {  	_ =	shalt  }
0x6d: {  	_ =	shalt  }
0x6e: {  	_ =	shalt  }
0x6f: {  	_ =	shalt  }
0x70: {  	_ =	shalt  }
0x71: {  	_ =	shalt  }
0x72: {  	_ =	shalt  }
0x73: {  	_ =	shalt  }
0x74: {  	_ =	shalt  }
0x75: {  	_ =	shalt  }
0x76: {  	_ =	shalt  }
0x77: {  	_ =	shalt  }
0x78: {  	_ =	shalt  }
0x79: {  	_ =	shalt  }
0x7a: {  	_ =	shalt  }
0x7b: {  	_ =	shalt  }
0x7c: {  	_ =	shalt  }
0x7d: {  	_ =	shalt  }
0x7e: {  	_ =	shalt  }
0x7f: {  	_ =	shalt  }
0x80: {  	_ =	shalt  }
0x81: {  	_ =	shalt  }
0x82: {  	_ =	shalt  }
0x83: {  	_ =	shalt  }
0x84: {  	_ =	shalt  }
0x85: {  	_ =	shalt  }
0x86: {  	_ =	shalt  }
0x87: {  	_ =	shalt  }
.Lfunc_end0:
.L_simem_size_0:
called_computation_lowered:
.L_overlay_start_0:
0x88: {  	s2 =	sld [smem:$0x3FD9]  }
0x89: {  	s3 =	sld [smem:$0x3FFE];
	_ =	sdelay $0x1  }
0x8a: {  	s1 =	srdreg.scid  }
0x8b: {  	s0 =	sand.u32 $0x1, s1  }
0x8c: {  	s16 =	sshll.u32 s0, $0xA;
	s2 =	sadd.s32 s3, s2  }
0x8d: {  	s2 =	sadd.s32 s2, s16  }
0x8e: {  	[smem:$0x3FC6] =	sst s2  }
0x8f: {  	_ = 	snop  }
0x90: {  	(tm) =	ssettm $0x1  }
0x91: {  	s17 =	sld [smem:$0x3FFB];
	_ =	sdelay $0x3  }
0x92: {  	_ =	strace s17  }
0x93: {  	s2 =	sld [smem:$0x3FFC];
	_ =	sdelay $0x3  }
0x94: {  	_ =	strace s2  }
0x95: {  	s2 =	sld [smem:$0x3FFD];
	_ =	sdelay $0x3  }
0x96: {  	_ =	strace s2  }
0x97: {  	_ =	strace $0x8FFFFFFF  }
0x98: {  	s18 =	sld [smem:$0x3FDB];
	_ =	sdelay $0x1  }
0x99: {  	s19 =	simm.s32 $_scs_section_size  }
0x9a: {  	s4 =	simm.s32 $_size__tile_overlayer_lowered;
	s5 =	simm.s32 $_tile_overlayer_lowered  }
0x9b: {  	s22 =	simm.s32 $0x1BFF;
	s21 =	sshll.u32 s5, $0x1;
	s2 =	sadd.s32 s19, s18  }
0x9c: {  	s6 =	simm.s32 $0x0;
	s20 =	sshll.u32 s4, $0x1;
	s4 =	sadd.s32 s21, s2  }
0x9d: {  	[timem:s6], [sflag:s22] =	dma.local [hbm:s4], s20  }
0x9e: {  	_ =	swait.ge [sflag:s22], s20  }
0x9f: {  	s3 =	ssub.s32 $0x0, s20;
	[sflag:s22] =	ssyncset.done $0x0  }
0xa0: {  	[sflag:s22] =	ssyncadd.s32 s3;
	_ =	sdelay $0x1  }
0xa1: {  	s23 =	simm.s32 $0x1B8B  }
0xa2: {  	_ =	swait.ge [sflag:s23], $0x1  }
0xa3: {  	[sflag:s23] =	ssyncset.done $0x0  }
0xa4: {  	s25 =	simm.s32 $0x1B8E;
	s24 =	sld [smem:$0x3FFE];
	[sflag:s23] =	ssyncadd.s32 $0xFFFFFFFF  }
0xa5: {  	s26 =	simm.s32 $execute0_lowered;
	[smem:$0x3FD2] =	sst s25  }
0xa6: {  	s4 =	sshll.u32 s26, $0x1;
	_ =	strace $0x80000046;
	[dreg:$0x1] =	wrdreg $0xFFFFFFFF  }
0xa7: {  	s28 =	simm.s32 $_size_execute0_lowered;
	s2 =	sadd.s32 s2, s4;
	[dreg:$0x0] =	wrdreg $0x0  }
0xa8: {  	s4 =	sshll.u32 s28, $0x1;
	[dreg:$0x2] =	wrdreg s2  }
0xa9: {  	[dreg:$0x3] =	wrdreg s4  }
0xaa: {  	[dreg:$0x4] =	wrdreg $0xC0  }
0xab: {  	_ =	task [dreg:s6], $0x5FFFF  }
0xac: {  	[dreg:$0x1] =	wrdreg $0xFFFFFFFF  }
0xad: {  	[dreg:$0x0] =	wrdreg $0x60  }
0xae: {  	[dreg:$0x2] =	wrdreg s24  }
0xaf: {  	[dreg:$0x3] =	wrdreg $0x9  }
0xb0: {  	_ =	task.clear_ibuf [dreg:s6], $0x4FFFF;
	_ =	strace $0x90000046  }
0xb1: {  	s29 =	simm.s32 $0x9;
	_ =	strace $0x80000048  }
0xb2: {  	_ =	swait.ge [sflag:s29], $0x1  }
0xb3: {  	[sflag:s29] =	ssyncadd.s32 $0xFFFFFFFF  }
0xb4: {  	_ =	strace $0x90000048  }
0xb5: {  	_ =	sfence  }
0xb6: {  	s30 =	sld [smem:$0x0];
	_ =	sdelay $0x2  }
0xb7: {  	s31 =	sshll.u32 s1, $0xD;
	s1 =	sshrl.u32 s1, $0x2  }
0xb8: {  	s3 =	sand.u32 $0x4000, s31;
	s1 =	sadd.s32 s1, s30  }
0xb9: {  	s0 =	sor.u32 s3, s0;
	s1 =	sshll.u32 s1, $0x11  }
0xba: {  	s0 =	sor.u32 s1, s0  }
0xbb: {  	s0 =	sadd.s32 $0x8F2B, s0  }
0xbc: {  	[sflag:s0] =	ssyncadd.remote.s32 $0x1  }
0xbd: {  	_ =	sfence.sel $0xFFFF  }
0xbe: {  	[dreg:$0x0] =	wrdreg $0xFFFFFFFF;
	(pc) =	sbr.abs _section_cstart, $3  }
0xbf: {  	[dreg:$0x1] =	wrdreg $0xFFFFFFFF  }
0xc0: {  	_ =	task.clear_ibuf [dreg:s6], $0x2FFFF;
	_ =	strace $0x9FFFFFFF  }
0xc1: {  	(tm) =	ssettm $0x7FFFFFFF  }
tec
execute0_lowered:
.L_overlay_start_1:
0x0: {  	(tag) =	ssettag $0x1  }
0x1: {  	s1 =	srdreg.scid  }
0x2: {  	s0 =	stileid.u32;
	s9 =	rddreg [dreg:$0x0];
	s6 =	sand.u32 $0x1, s1  }
0x3: {  	s7 =	simm.s32 $0x80;
	s30 =	sshll.u32 s0, $0x6;
	s2 =	sshll.u32 s6, $0x5  }
0x4: {  	s8 =	simm.s32 $0x1;
	s1 =	rddreg [dreg:$0x1];
	s10 =	sor.u32 s2, s30  }
0x5: {  	s5 =	sadd.s32 $0xC38E00, s9;
	s2 =	simm.s32 $0x0;
	s3 =	sshrl.u32 s10, $0x3  }
0x6: {  	s11 =	ssub.s32 $0x2, s6;
	[smem:$0x7FF] =	sst s2;
	s3 =	sadd.s32 s3, s9  }
0x7: {  	_ =	strace $0x80000047;
	s4 =	sadd.s32 $0x186E000, s3;
	s3 =	simm.s32 $0x2  }
0x8: {  	[tilespmem:s2], [sflag:$0x2] =	stream.linear.gather [hbm4b:s4+s2], $0x20, $0x38;
	[tilespmem:$0x1080] =	vst v63  }
0x9: {  	s6 =	simm.s32 $0x20;
	s12 =	sshrl.u32 s11, $0x1;
	_ =	swait.ge [sflag:s3], $0x20  }
0xa: {  	s10 =	sshll.u32 s10, $0x4;
	s31 =	ssub.s32 s11, s12;
	[sflag:s3] =	ssyncset.done $0x0  }
0xb: {  	s9 =	sadd.s32 s10, s9;
	s10 =	smax.u32 s31, $0x1;
	[sflag:s3] =	ssyncadd.s32 $0xFFFFFFE0  }
0xc: {  	[tilespmem:s7], [sflag:$0x1] =	stream.indirect.gather [hbm4b:s5+s6], $0x80, s2, s6, $0xb8;
	[tilespmem:$0x1080] =	vst v63  }
0xd: {  	p0 =	sne.s32 s10, $0x1;
	_ =	swait.ge [sflag:s8], $0x1000  }
.Ltmp0:
0xe: {  	[sflag:s8] =	ssyncset.done $0x0;
	(pc) =	sbr.rel @!p0 .LBB2_2-.Ltmp0, $4  }
0xf: {  	s9 =	sadd.s32 $0x186E200, s9;
	[sflag:s8] =	ssyncadd.s32 $0xFFFFF000  }
0x10: {  	[hbm4b:s9+s2] =	stream.linear.scatter [tilespmem:s7], [sflag:$0x2], $0x1000, $0x38;
	[tilespmem:$0x1080] =	vst v63  }
0x11: {  	_ =	swait.ge [sflag:s3], $0x1000  }
0x12: {  	s10 =	sadd.s32 $0xFFFFFFFF, s10;
	[sflag:s3] =	ssyncset.done $0x0  }
.LBB2_1:
0x13: {  	p0 =	sne.s32 s10, $0x1;
	s10 =	sadd.s32 $0xFFFFFFFF, s10;
	[sflag:s3] =	ssyncadd.s32 $0xFFFFF000  }
0x14: {  	[tilespmem:s2], [sflag:$0x2] =	stream.linear.gather [hbm4b:s4+s2], $0x20, $0x38;
	[tilespmem:$0x1080] =	vst v63  }
0x15: {  	_ =	swait.ge [sflag:s3], $0x20  }
0x16: {  	[sflag:s3] =	ssyncset.done $0x0  }
0x17: {  	[sflag:s3] =	ssyncadd.s32 $0xFFFFFFE0  }
0x18: {  	[tilespmem:s7], [sflag:$0x1] =	stream.indirect.gather [hbm4b:s5+s6], $0x80, s2, s6, $0xb8;
	[tilespmem:$0x1080] =	vst v63  }
0x19: {  	_ =	swait.ge [sflag:s8], $0x1000  }
.Ltmp1:
0x1a: {  	[sflag:s8] =	ssyncset.done $0x0;
	(pc) =	sbr.rel @p0 .LBB2_1-.Ltmp1, $4  }
0x1b: {  	[sflag:s8] =	ssyncadd.s32 $0xFFFFF000  }
0x1c: {  	[hbm4b:s9+s2] =	stream.linear.scatter [tilespmem:s7], [sflag:$0x2], $0x1000, $0x38;
	[tilespmem:$0x1080] =	vst v63  }
0x1d: {  	_ =	swait.ge [sflag:s3], $0x1000  }
0x1e: {  	[sflag:s3] =	ssyncset.done $0x0  }
.LBB2_2:
0x1f: {  	[sflag:s3] =	ssyncadd.s32 $0xFFFFF000  }
0x20: {  	_ =	sfence.sel $0x180000  }
0x21: {  	[bflag:$0x0] =	sbarrier.arrive $0xFFFF  }
0x22: {  	p0 =	sne.s32 s0, $0x0;
	_ =	strace $0x90000047  }
0x23: {  	s0 =	sadd.s32 @!p0 $0x100000, s1;
	[bflag:$0x2] =	sbarrier.arrive $0xFFFF  }
0x24: {  	[sflag:s0] =	ssyncadd.tile.s32 @!p0 $0x1;
	_ =	shalt  }
.Lfunc_end2:
_tile_overlayer_lowered:
.L_overlay_start_2:
0x25: {  	(tag) =	ssettag $0x2  }
0x26: {  	s0 =	rddreg [dreg:$0x0];
	s2 =	stileid.u32  }
0x27: {  	s1 =	rddreg [dreg:$0x1];
	p0 =	sne.s32 s2, $0x0  }
0x28: {  	s3 =	rddreg [dreg:$0x2];
	[bflag:$0x3] =	sbarrier.arrive $0xFFFF;
	s2 =	simm.s32 @!p0 $0x1C02  }
0x29: {  	[timem:s3], [sflag:s2] =	dma.local @!p0 [hbm:s0], s1  }
0x2a: {  	s0 =	simm.s32 @!p0 $0x2  }
0x2b: {  	_ =	swait.ge @!p0 [sflag:s0], s1  }
0x2c: {  	s1 =	ssub.s32 @!p0 $0x0, s1;
	[sflag:s0] =	ssyncset.done @!p0 $0x0  }
0x2d: {  	[sflag:s0] =	ssyncadd.s32 @!p0 s1  }
0x2e: {  	[bflag:$0x3] =	sbarrier.arrive $0xFFFF  }
0x2f: {  	_ =	shalt  }

</sc_bundles>
